<compile_context>
chip_gen: v7x
topology: tpu7x:2x2x1
jax: 0.10.2.dev20260603
libtpu: 0.0.44.dev20260713+nightly
codegen_flags: <defaults>
</compile_context>

<pallas_src>
import functools

import jax
import jax.numpy as jnp
from jax import lax
from jax.experimental import pallas as pl
from jax.experimental.pallas import tpu as pltpu
from jax.experimental.pallas import tpu_sc as plsc

_D_MODEL = 2048
_MAXLEN = 4096
_SEQ = 8192

_NW = 32
_BPW = _SEQ // _NW
_CH = 16
_NCH = _BPW // _CH
_L = 16


def _body(pos_hbm, tab_hbm, out_hbm, idx_v, rows0, rows1, sem0, sem1):
    wid = lax.axis_index("s") * 2 + lax.axis_index("c")
    base = wid * _BPW

    pltpu.sync_copy(pos_hbm.at[pl.ds(base, _BPW)], idx_v)

    for i in range(_BPW // _L):
        v = idx_v[pl.ds(i * _L, _L)]
        v = jnp.maximum(jnp.minimum(v, _MAXLEN - 1), -_MAXLEN) + _MAXLEN
        idx_v[pl.ds(i * _L, _L)] = v

    bufs = (rows0, rows1)
    sems = (sem0, sem1)

    def _gather(g, buf, sem):
        pltpu.async_copy(tab_hbm.at[idx_v.at[pl.ds(g * _CH, _CH)]], buf, sem)

    def _drain(g, buf, sem):
        pltpu.make_async_copy(tab_hbm.at[idx_v.at[pl.ds(g * _CH, _CH)]],
                              buf, sem).wait()
        pltpu.sync_copy(buf, out_hbm.at[pl.ds(base + g * _CH, _CH)])

    _gather(0, bufs[0], sems[0])

    @pl.loop(0, _NCH - 1)
    def _(g):
        for b in range(2):
            @pl.when(g % 2 == b)
            def _():
                _gather(g + 1, bufs[1 - b], sems[1 - b])
                _drain(g, bufs[b], sems[b])

    for b in range(2):
        @pl.when((_NCH - 1) % 2 == b)
        def _():
            _drain(_NCH - 1, bufs[b], sems[b])


@jax.jit
def kernel(pos_seq, pe_k):
    run = pl.kernel(
        _body,
        out_type=jax.ShapeDtypeStruct((_SEQ, _D_MODEL), jnp.float32),
        mesh=plsc.VectorSubcoreMesh(core_axis_name="c", subcore_axis_name="s"),
        scratch_types=[
            pltpu.VMEM((_BPW,), jnp.int32),
            pltpu.VMEM((_CH, _D_MODEL), jnp.float32),
            pltpu.VMEM((_CH, _D_MODEL), jnp.float32),
            pltpu.SemaphoreType.DMA,
            pltpu.SemaphoreType.DMA,
        ],
    )
    return run(pos_seq, pe_k)

# --- scband reference (transcript-rebuilt; emitter-appended) ---
"""Pipeline reference for scband-relative-positional-encoding-36258113913534 (READ-ONLY COPY).

The authoritative reference and input builder live on the scoring server;
editing this copy changes nothing except your own understanding.
"""

import jax, jax.numpy as jnp
import numpy as np

D_MODEL = 2048
MAXLEN = 4096
SEQ = 8192

def setup_inputs(seed: int = 0) -> dict:
    key = jax.random.key(seed)
    k0, k1 = jax.random.split(key)
    pos_seq = jax.random.randint(k0, (SEQ,), 0, SEQ, dtype=jnp.int32)
    pe_k = jax.random.normal(k1, (2 * MAXLEN, D_MODEL), dtype=jnp.float32) * 0.02
    return {"pos_seq": pos_seq, "pe_k": pe_k}

def reference(pos_seq, pe_k):
    # clamp relative positions to [-maxlen, maxlen-1], then shift to [0, 2*maxlen)
    pos = jnp.where(pos_seq < -MAXLEN, -MAXLEN, pos_seq)
    pos = jnp.where(pos >= MAXLEN, MAXLEN - 1, pos)
    pos = pos + MAXLEN
    out_k = jnp.take(pe_k, pos, axis=0)
    # embed_v=False: module returns (pe_k(pos), None); we return the array output
    return out_k

if __name__ == "__main__":
    import jax
    _d = setup_inputs()
    print(jax.jit(kernel)(*tuple(_d.values())))

</pallas_src>

<mosaic_0001>
#map = affine_map<(d0, d1) -> (0)>
#map1 = affine_map<(d0, d1) -> (0, 0)>
module attributes {stable_mosaic.version = 14 : i64} {
  func.func @_body(%arg0: i32, %arg1: i32, %arg2: memref<8192xi32, #tpu.memory_space<hbm>>, %arg3: memref<8192x2048xf32, #tpu.memory_space<hbm>>, %arg4: memref<8192x2048xf32, #tpu.memory_space<hbm>>, %arg5: memref<256xi32, #tpu.memory_space<vmem>>, %arg6: memref<16x2048xf32, #tpu.memory_space<vmem>>, %arg7: memref<16x2048xf32, #tpu.memory_space<vmem>>, %arg8: memref<!tpu.dma_semaphore, #tpu.memory_space<semaphore_mem>>, %arg9: memref<!tpu.dma_semaphore, #tpu.memory_space<semaphore_mem>>) attributes {dimension_semantics = [#tpu.dimension_semantics<core_parallel>, #tpu.dimension_semantics<subcore_parallel>], iteration_bounds = array<i64: 2, 16>, scalar_prefetch = 0 : i64, scratch_operands = 5 : i64, tpu.core_type = #tpu.core_type<sc_vector_subcore>, window_params = [{transform_indices = #map}, {transform_indices = #map1}, {transform_indices = #map1}]} {
    %mul3A = arith.constant 2 : i32
    %mul3A_0 = arith.muli %arg1, %mul3A : i32
    %add3A = arith.addi %mul3A_0, %arg0 : i32
    %mul3A_1 = arith.constant 256 : i32
    %mul3A_2 = arith.muli %add3A, %mul3A_1 : i32
    "tpu.region"() ({
      %run_scoped3A = tpu.sem_alloc : memref<!tpu.dma_semaphore, #tpu.memory_space<semaphore_mem>>
      %dma_start3A_269 = tpu.memref_slice %arg2[%mul3A_2] : memref<8192xi32, #tpu.memory_space<hbm>> -> memref<256xi32, #tpu.memory_space<hbm>>
      %dma_start3A_270 = tpu.memref_slice %arg2[%mul3A_2] : memref<8192xi32, #tpu.memory_space<hbm>> -> memref<256xi32, #tpu.memory_space<hbm>>
      tpu.enqueue_dma source(%dma_start3A_270 : memref<256xi32, #tpu.memory_space<hbm>>) target(%arg5 : memref<256xi32, #tpu.memory_space<vmem>>) target_semaphore(%run_scoped3A : memref<!tpu.dma_semaphore, #tpu.memory_space<semaphore_mem>>)
      %dma_wait3A_271 = tpu.memref_slice %arg2[%mul3A_2] : memref<8192xi32, #tpu.memory_space<hbm>> -> memref<256xi32, #tpu.memory_space<hbm>>
      %dma_wait3A_272 = tpu.memref_slice %arg2[%mul3A_2] : memref<8192xi32, #tpu.memory_space<hbm>> -> memref<256xi32, #tpu.memory_space<hbm>>
      tpu.wait_dma2 semaphore(%run_scoped3A : memref<!tpu.dma_semaphore, #tpu.memory_space<semaphore_mem>>) src(%dma_wait3A_272 : memref<256xi32, #tpu.memory_space<hbm>>) dst(%arg5 : memref<256xi32, #tpu.memory_space<vmem>>)
      tpu.yield
    }) : () -> ()
    %get3A = arith.constant 0 : index
    %get3A_3 = tpu.vector_load %arg5[%get3A] {strides = array<i32>} : memref<256xi32, #tpu.memory_space<vmem>>, vector<16xi32>,
    %get3A_4 = vector.shape_cast %get3A_3 : vector<16xi32> to vector<16xi32>
    %min3A = arith.constant 4095 : i32
    %min3A_5 = vector.broadcast %min3A : i32 to vector<16xi32>
    %min3A_6 = arith.minsi %get3A_4, %min3A_5 : vector<16xi32>
    %max3A = arith.constant -4096 : i32
    %max3A_7 = vector.broadcast %max3A : i32 to vector<16xi32>
    %max3A_8 = arith.maxsi %min3A_6, %max3A_7 : vector<16xi32>
    %add3A_9 = arith.constant 4096 : i32
    %add3A_10 = vector.broadcast %add3A_9 : i32 to vector<16xi32>
    %add3A_11 = arith.addi %max3A_8, %add3A_10 : vector<16xi32>
    %swap3A = arith.constant 0 : index
    %swap3A_12 = tpu.vector_load %arg5[%swap3A] {strides = array<i32>} : memref<256xi32, #tpu.memory_space<vmem>>, vector<16xi32>,
    %swap3A_13 = vector.shape_cast %swap3A_12 : vector<16xi32> to vector<16xi32>
    %swap3A_14 = vector.shape_cast %add3A_11 : vector<16xi32> to vector<16xi32>
    tpu.vector_store %arg5[%swap3A], %swap3A_14 {strides = array<i32>} : memref<256xi32, #tpu.memory_space<vmem>>, vector<16xi32>,
    %get3A_15 = arith.constant 16 : index
    %get3A_16 = tpu.vector_load %arg5[%get3A_15] {strides = array<i32>} : memref<256xi32, #tpu.memory_space<vmem>>, vector<16xi32>,
    %get3A_17 = vector.shape_cast %get3A_16 : vector<16xi32> to vector<16xi32>
    %min3A_18 = arith.constant 4095 : i32
    %min3A_19 = vector.broadcast %min3A_18 : i32 to vector<16xi32>
    %min3A_20 = arith.minsi %get3A_17, %min3A_19 : vector<16xi32>
    %max3A_21 = arith.constant -4096 : i32
    %max3A_22 = vector.broadcast %max3A_21 : i32 to vector<16xi32>
    %max3A_23 = arith.maxsi %min3A_20, %max3A_22 : vector<16xi32>
    %add3A_24 = arith.constant 4096 : i32
    %add3A_25 = vector.broadcast %add3A_24 : i32 to vector<16xi32>
    %add3A_26 = arith.addi %max3A_23, %add3A_25 : vector<16xi32>
    %swap3A_27 = arith.constant 16 : index
    %swap3A_28 = tpu.vector_load %arg5[%swap3A_27] {strides = array<i32>} : memref<256xi32, #tpu.memory_space<vmem>>, vector<16xi32>,
    %swap3A_29 = vector.shape_cast %swap3A_28 : vector<16xi32> to vector<16xi32>
    %swap3A_30 = vector.shape_cast %add3A_26 : vector<16xi32> to vector<16xi32>
    tpu.vector_store %arg5[%swap3A_27], %swap3A_30 {strides = array<i32>} : memref<256xi32, #tpu.memory_space<vmem>>, vector<16xi32>,
    %get3A_31 = arith.constant 32 : index
    %get3A_32 = tpu.vector_load %arg5[%get3A_31] {strides = array<i32>} : memref<256xi32, #tpu.memory_space<vmem>>, vector<16xi32>,
    %get3A_33 = vector.shape_cast %get3A_32 : vector<16xi32> to vector<16xi32>
    %min3A_34 = arith.constant 4095 : i32
    %min3A_35 = vector.broadcast %min3A_34 : i32 to vector<16xi32>
    %min3A_36 = arith.minsi %get3A_33, %min3A_35 : vector<16xi32>
    %max3A_37 = arith.constant -4096 : i32
    %max3A_38 = vector.broadcast %max3A_37 : i32 to vector<16xi32>
    %max3A_39 = arith.maxsi %min3A_36, %max3A_38 : vector<16xi32>
    %add3A_40 = arith.constant 4096 : i32
    %add3A_41 = vector.broadcast %add3A_40 : i32 to vector<16xi32>
    %add3A_42 = arith.addi %max3A_39, %add3A_41 : vector<16xi32>
    %swap3A_43 = arith.constant 32 : index
    %swap3A_44 = tpu.vector_load %arg5[%swap3A_43] {strides = array<i32>} : memref<256xi32, #tpu.memory_space<vmem>>, vector<16xi32>,
    %swap3A_45 = vector.shape_cast %swap3A_44 : vector<16xi32> to vector<16xi32>
    %swap3A_46 = vector.shape_cast %add3A_42 : vector<16xi32> to vector<16xi32>
    tpu.vector_store %arg5[%swap3A_43], %swap3A_46 {strides = array<i32>} : memref<256xi32, #tpu.memory_space<vmem>>, vector<16xi32>,
    %get3A_47 = arith.constant 48 : index
    %get3A_48 = tpu.vector_load %arg5[%get3A_47] {strides = array<i32>} : memref<256xi32, #tpu.memory_space<vmem>>, vector<16xi32>,
    %get3A_49 = vector.shape_cast %get3A_48 : vector<16xi32> to vector<16xi32>
    %min3A_50 = arith.constant 4095 : i32
    %min3A_51 = vector.broadcast %min3A_50 : i32 to vector<16xi32>
    %min3A_52 = arith.minsi %get3A_49, %min3A_51 : vector<16xi32>
    %max3A_53 = arith.constant -4096 : i32
    %max3A_54 = vector.broadcast %max3A_53 : i32 to vector<16xi32>
    %max3A_55 = arith.maxsi %min3A_52, %max3A_54 : vector<16xi32>
    %add3A_56 = arith.constant 4096 : i32
    %add3A_57 = vector.broadcast %add3A_56 : i32 to vector<16xi32>
    %add3A_58 = arith.addi %max3A_55, %add3A_57 : vector<16xi32>
    %swap3A_59 = arith.constant 48 : index
    %swap3A_60 = tpu.vector_load %arg5[%swap3A_59] {strides = array<i32>} : memref<256xi32, #tpu.memory_space<vmem>>, vector<16xi32>,
    %swap3A_61 = vector.shape_cast %swap3A_60 : vector<16xi32> to vector<16xi32>
    %swap3A_62 = vector.shape_cast %add3A_58 : vector<16xi32> to vector<16xi32>
    tpu.vector_store %arg5[%swap3A_59], %swap3A_62 {strides = array<i32>} : memref<256xi32, #tpu.memory_space<vmem>>, vector<16xi32>,
    %get3A_63 = arith.constant 64 : index
    %get3A_64 = tpu.vector_load %arg5[%get3A_63] {strides = array<i32>} : memref<256xi32, #tpu.memory_space<vmem>>, vector<16xi32>,
    %get3A_65 = vector.shape_cast %get3A_64 : vector<16xi32> to vector<16xi32>
    %min3A_66 = arith.constant 4095 : i32
    %min3A_67 = vector.broadcast %min3A_66 : i32 to vector<16xi32>
    %min3A_68 = arith.minsi %get3A_65, %min3A_67 : vector<16xi32>
    %max3A_69 = arith.constant -4096 : i32
    %max3A_70 = vector.broadcast %max3A_69 : i32 to vector<16xi32>
    %max3A_71 = arith.maxsi %min3A_68, %max3A_70 : vector<16xi32>
    %add3A_72 = arith.constant 4096 : i32
    %add3A_73 = vector.broadcast %add3A_72 : i32 to vector<16xi32>
    %add3A_74 = arith.addi %max3A_71, %add3A_73 : vector<16xi32>
    %swap3A_75 = arith.constant 64 : index
    %swap3A_76 = tpu.vector_load %arg5[%swap3A_75] {strides = array<i32>} : memref<256xi32, #tpu.memory_space<vmem>>, vector<16xi32>,
    %swap3A_77 = vector.shape_cast %swap3A_76 : vector<16xi32> to vector<16xi32>
    %swap3A_78 = vector.shape_cast %add3A_74 : vector<16xi32> to vector<16xi32>
    tpu.vector_store %arg5[%swap3A_75], %swap3A_78 {strides = array<i32>} : memref<256xi32, #tpu.memory_space<vmem>>, vector<16xi32>,
    %get3A_79 = arith.constant 80 : index
    %get3A_80 = tpu.vector_load %arg5[%get3A_79] {strides = array<i32>} : memref<256xi32, #tpu.memory_space<vmem>>, vector<16xi32>,
    %get3A_81 = vector.shape_cast %get3A_80 : vector<16xi32> to vector<16xi32>
    %min3A_82 = arith.constant 4095 : i32
    %min3A_83 = vector.broadcast %min3A_82 : i32 to vector<16xi32>
    %min3A_84 = arith.minsi %get3A_81, %min3A_83 : vector<16xi32>
    %max3A_85 = arith.constant -4096 : i32
    %max3A_86 = vector.broadcast %max3A_85 : i32 to vector<16xi32>
    %max3A_87 = arith.maxsi %min3A_84, %max3A_86 : vector<16xi32>
    %add3A_88 = arith.constant 4096 : i32
    %add3A_89 = vector.broadcast %add3A_88 : i32 to vector<16xi32>
    %add3A_90 = arith.addi %max3A_87, %add3A_89 : vector<16xi32>
    %swap3A_91 = arith.constant 80 : index
    %swap3A_92 = tpu.vector_load %arg5[%swap3A_91] {strides = array<i32>} : memref<256xi32, #tpu.memory_space<vmem>>, vector<16xi32>,
    %swap3A_93 = vector.shape_cast %swap3A_92 : vector<16xi32> to vector<16xi32>
    %swap3A_94 = vector.shape_cast %add3A_90 : vector<16xi32> to vector<16xi32>
    tpu.vector_store %arg5[%swap3A_91], %swap3A_94 {strides = array<i32>} : memref<256xi32, #tpu.memory_space<vmem>>, vector<16xi32>,
    %get3A_95 = arith.constant 96 : index
    %get3A_96 = tpu.vector_load %arg5[%get3A_95] {strides = array<i32>} : memref<256xi32, #tpu.memory_space<vmem>>, vector<16xi32>,
    %get3A_97 = vector.shape_cast %get3A_96 : vector<16xi32> to vector<16xi32>
    %min3A_98 = arith.constant 4095 : i32
    %min3A_99 = vector.broadcast %min3A_98 : i32 to vector<16xi32>
    %min3A_100 = arith.minsi %get3A_97, %min3A_99 : vector<16xi32>
    %max3A_101 = arith.constant -4096 : i32
    %max3A_102 = vector.broadcast %max3A_101 : i32 to vector<16xi32>
    %max3A_103 = arith.maxsi %min3A_100, %max3A_102 : vector<16xi32>
    %add3A_104 = arith.constant 4096 : i32
    %add3A_105 = vector.broadcast %add3A_104 : i32 to vector<16xi32>
    %add3A_106 = arith.addi %max3A_103, %add3A_105 : vector<16xi32>
    %swap3A_107 = arith.constant 96 : index
    %swap3A_108 = tpu.vector_load %arg5[%swap3A_107] {strides = array<i32>} : memref<256xi32, #tpu.memory_space<vmem>>, vector<16xi32>,
    %swap3A_109 = vector.shape_cast %swap3A_108 : vector<16xi32> to vector<16xi32>
    %swap3A_110 = vector.shape_cast %add3A_106 : vector<16xi32> to vector<16xi32>
    tpu.vector_store %arg5[%swap3A_107], %swap3A_110 {strides = array<i32>} : memref<256xi32, #tpu.memory_space<vmem>>, vector<16xi32>,
    %get3A_111 = arith.constant 112 : index
    %get3A_112 = tpu.vector_load %arg5[%get3A_111] {strides = array<i32>} : memref<256xi32, #tpu.memory_space<vmem>>, vector<16xi32>,
    %get3A_113 = vector.shape_cast %get3A_112 : vector<16xi32> to vector<16xi32>
    %min3A_114 = arith.constant 4095 : i32
    %min3A_115 = vector.broadcast %min3A_114 : i32 to vector<16xi32>
    %min3A_116 = arith.minsi %get3A_113, %min3A_115 : vector<16xi32>
    %max3A_117 = arith.constant -4096 : i32
    %max3A_118 = vector.broadcast %max3A_117 : i32 to vector<16xi32>
    %max3A_119 = arith.maxsi %min3A_116, %max3A_118 : vector<16xi32>
    %add3A_120 = arith.constant 4096 : i32
    %add3A_121 = vector.broadcast %add3A_120 : i32 to vector<16xi32>
    %add3A_122 = arith.addi %max3A_119, %add3A_121 : vector<16xi32>
    %swap3A_123 = arith.constant 112 : index
    %swap3A_124 = tpu.vector_load %arg5[%swap3A_123] {strides = array<i32>} : memref<256xi32, #tpu.memory_space<vmem>>, vector<16xi32>,
    %swap3A_125 = vector.shape_cast %swap3A_124 : vector<16xi32> to vector<16xi32>
    %swap3A_126 = vector.shape_cast %add3A_122 : vector<16xi32> to vector<16xi32>
    tpu.vector_store %arg5[%swap3A_123], %swap3A_126 {strides = array<i32>} : memref<256xi32, #tpu.memory_space<vmem>>, vector<16xi32>,
    %get3A_127 = arith.constant 128 : index
    %get3A_128 = tpu.vector_load %arg5[%get3A_127] {strides = array<i32>} : memref<256xi32, #tpu.memory_space<vmem>>, vector<16xi32>,
    %get3A_129 = vector.shape_cast %get3A_128 : vector<16xi32> to vector<16xi32>
    %min3A_130 = arith.constant 4095 : i32
    %min3A_131 = vector.broadcast %min3A_130 : i32 to vector<16xi32>
    %min3A_132 = arith.minsi %get3A_129, %min3A_131 : vector<16xi32>
    %max3A_133 = arith.constant -4096 : i32
    %max3A_134 = vector.broadcast %max3A_133 : i32 to vector<16xi32>
    %max3A_135 = arith.maxsi %min3A_132, %max3A_134 : vector<16xi32>
    %add3A_136 = arith.constant 4096 : i32
    %add3A_137 = vector.broadcast %add3A_136 : i32 to vector<16xi32>
    %add3A_138 = arith.addi %max3A_135, %add3A_137 : vector<16xi32>
    %swap3A_139 = arith.constant 128 : index
    %swap3A_140 = tpu.vector_load %arg5[%swap3A_139] {strides = array<i32>} : memref<256xi32, #tpu.memory_space<vmem>>, vector<16xi32>,
    %swap3A_141 = vector.shape_cast %swap3A_140 : vector<16xi32> to vector<16xi32>
    %swap3A_142 = vector.shape_cast %add3A_138 : vector<16xi32> to vector<16xi32>
    tpu.vector_store %arg5[%swap3A_139], %swap3A_142 {strides = array<i32>} : memref<256xi32, #tpu.memory_space<vmem>>, vector<16xi32>,
    %get3A_143 = arith.constant 144 : index
    %get3A_144 = tpu.vector_load %arg5[%get3A_143] {strides = array<i32>} : memref<256xi32, #tpu.memory_space<vmem>>, vector<16xi32>,
    %get3A_145 = vector.shape_cast %get3A_144 : vector<16xi32> to vector<16xi32>
    %min3A_146 = arith.constant 4095 : i32
    %min3A_147 = vector.broadcast %min3A_146 : i32 to vector<16xi32>
    %min3A_148 = arith.minsi %get3A_145, %min3A_147 : vector<16xi32>
    %max3A_149 = arith.constant -4096 : i32
    %max3A_150 = vector.broadcast %max3A_149 : i32 to vector<16xi32>
    %max3A_151 = arith.maxsi %min3A_148, %max3A_150 : vector<16xi32>
    %add3A_152 = arith.constant 4096 : i32
    %add3A_153 = vector.broadcast %add3A_152 : i32 to vector<16xi32>
    %add3A_154 = arith.addi %max3A_151, %add3A_153 : vector<16xi32>
    %swap3A_155 = arith.constant 144 : index
    %swap3A_156 = tpu.vector_load %arg5[%swap3A_155] {strides = array<i32>} : memref<256xi32, #tpu.memory_space<vmem>>, vector<16xi32>,
    %swap3A_157 = vector.shape_cast %swap3A_156 : vector<16xi32> to vector<16xi32>
    %swap3A_158 = vector.shape_cast %add3A_154 : vector<16xi32> to vector<16xi32>
    tpu.vector_store %arg5[%swap3A_155], %swap3A_158 {strides = array<i32>} : memref<256xi32, #tpu.memory_space<vmem>>, vector<16xi32>,
    %get3A_159 = arith.constant 160 : index
    %get3A_160 = tpu.vector_load %arg5[%get3A_159] {strides = array<i32>} : memref<256xi32, #tpu.memory_space<vmem>>, vector<16xi32>,
    %get3A_161 = vector.shape_cast %get3A_160 : vector<16xi32> to vector<16xi32>
    %min3A_162 = arith.constant 4095 : i32
    %min3A_163 = vector.broadcast %min3A_162 : i32 to vector<16xi32>
    %min3A_164 = arith.minsi %get3A_161, %min3A_163 : vector<16xi32>
    %max3A_165 = arith.constant -4096 : i32
    %max3A_166 = vector.broadcast %max3A_165 : i32 to vector<16xi32>
    %max3A_167 = arith.maxsi %min3A_164, %max3A_166 : vector<16xi32>
    %add3A_168 = arith.constant 4096 : i32
    %add3A_169 = vector.broadcast %add3A_168 : i32 to vector<16xi32>
    %add3A_170 = arith.addi %max3A_167, %add3A_169 : vector<16xi32>
    %swap3A_171 = arith.constant 160 : index
    %swap3A_172 = tpu.vector_load %arg5[%swap3A_171] {strides = array<i32>} : memref<256xi32, #tpu.memory_space<vmem>>, vector<16xi32>,
    %swap3A_173 = vector.shape_cast %swap3A_172 : vector<16xi32> to vector<16xi32>
    %swap3A_174 = vector.shape_cast %add3A_170 : vector<16xi32> to vector<16xi32>
    tpu.vector_store %arg5[%swap3A_171], %swap3A_174 {strides = array<i32>} : memref<256xi32, #tpu.memory_space<vmem>>, vector<16xi32>,
    %get3A_175 = arith.constant 176 : index
    %get3A_176 = tpu.vector_load %arg5[%get3A_175] {strides = array<i32>} : memref<256xi32, #tpu.memory_space<vmem>>, vector<16xi32>,
    %get3A_177 = vector.shape_cast %get3A_176 : vector<16xi32> to vector<16xi32>
    %min3A_178 = arith.constant 4095 : i32
    %min3A_179 = vector.broadcast %min3A_178 : i32 to vector<16xi32>
    %min3A_180 = arith.minsi %get3A_177, %min3A_179 : vector<16xi32>
    %max3A_181 = arith.constant -4096 : i32
    %max3A_182 = vector.broadcast %max3A_181 : i32 to vector<16xi32>
    %max3A_183 = arith.maxsi %min3A_180, %max3A_182 : vector<16xi32>
    %add3A_184 = arith.constant 4096 : i32
    %add3A_185 = vector.broadcast %add3A_184 : i32 to vector<16xi32>
    %add3A_186 = arith.addi %max3A_183, %add3A_185 : vector<16xi32>
    %swap3A_187 = arith.constant 176 : index
    %swap3A_188 = tpu.vector_load %arg5[%swap3A_187] {strides = array<i32>} : memref<256xi32, #tpu.memory_space<vmem>>, vector<16xi32>,
    %swap3A_189 = vector.shape_cast %swap3A_188 : vector<16xi32> to vector<16xi32>
    %swap3A_190 = vector.shape_cast %add3A_186 : vector<16xi32> to vector<16xi32>
    tpu.vector_store %arg5[%swap3A_187], %swap3A_190 {strides = array<i32>} : memref<256xi32, #tpu.memory_space<vmem>>, vector<16xi32>,
    %get3A_191 = arith.constant 192 : index
    %get3A_192 = tpu.vector_load %arg5[%get3A_191] {strides = array<i32>} : memref<256xi32, #tpu.memory_space<vmem>>, vector<16xi32>,
    %get3A_193 = vector.shape_cast %get3A_192 : vector<16xi32> to vector<16xi32>
    %min3A_194 = arith.constant 4095 : i32
    %min3A_195 = vector.broadcast %min3A_194 : i32 to vector<16xi32>
    %min3A_196 = arith.minsi %get3A_193, %min3A_195 : vector<16xi32>
    %max3A_197 = arith.constant -4096 : i32
    %max3A_198 = vector.broadcast %max3A_197 : i32 to vector<16xi32>
    %max3A_199 = arith.maxsi %min3A_196, %max3A_198 : vector<16xi32>
    %add3A_200 = arith.constant 4096 : i32
    %add3A_201 = vector.broadcast %add3A_200 : i32 to vector<16xi32>
    %add3A_202 = arith.addi %max3A_199, %add3A_201 : vector<16xi32>
    %swap3A_203 = arith.constant 192 : index
    %swap3A_204 = tpu.vector_load %arg5[%swap3A_203] {strides = array<i32>} : memref<256xi32, #tpu.memory_space<vmem>>, vector<16xi32>,
    %swap3A_205 = vector.shape_cast %swap3A_204 : vector<16xi32> to vector<16xi32>
    %swap3A_206 = vector.shape_cast %add3A_202 : vector<16xi32> to vector<16xi32>
    tpu.vector_store %arg5[%swap3A_203], %swap3A_206 {strides = array<i32>} : memref<256xi32, #tpu.memory_space<vmem>>, vector<16xi32>,
    %get3A_207 = arith.constant 208 : index
    %get3A_208 = tpu.vector_load %arg5[%get3A_207] {strides = array<i32>} : memref<256xi32, #tpu.memory_space<vmem>>, vector<16xi32>,
    %get3A_209 = vector.shape_cast %get3A_208 : vector<16xi32> to vector<16xi32>
    %min3A_210 = arith.constant 4095 : i32
    %min3A_211 = vector.broadcast %min3A_210 : i32 to vector<16xi32>
    %min3A_212 = arith.minsi %get3A_209, %min3A_211 : vector<16xi32>
    %max3A_213 = arith.constant -4096 : i32
    %max3A_214 = vector.broadcast %max3A_213 : i32 to vector<16xi32>
    %max3A_215 = arith.maxsi %min3A_212, %max3A_214 : vector<16xi32>
    %add3A_216 = arith.constant 4096 : i32
    %add3A_217 = vector.broadcast %add3A_216 : i32 to vector<16xi32>
    %add3A_218 = arith.addi %max3A_215, %add3A_217 : vector<16xi32>
    %swap3A_219 = arith.constant 208 : index
    %swap3A_220 = tpu.vector_load %arg5[%swap3A_219] {strides = array<i32>} : memref<256xi32, #tpu.memory_space<vmem>>, vector<16xi32>,
    %swap3A_221 = vector.shape_cast %swap3A_220 : vector<16xi32> to vector<16xi32>
    %swap3A_222 = vector.shape_cast %add3A_218 : vector<16xi32> to vector<16xi32>
    tpu.vector_store %arg5[%swap3A_219], %swap3A_222 {strides = array<i32>} : memref<256xi32, #tpu.memory_space<vmem>>, vector<16xi32>,
    %get3A_223 = arith.constant 224 : index
    %get3A_224 = tpu.vector_load %arg5[%get3A_223] {strides = array<i32>} : memref<256xi32, #tpu.memory_space<vmem>>, vector<16xi32>,
    %get3A_225 = vector.shape_cast %get3A_224 : vector<16xi32> to vector<16xi32>
    %min3A_226 = arith.constant 4095 : i32
    %min3A_227 = vector.broadcast %min3A_226 : i32 to vector<16xi32>
    %min3A_228 = arith.minsi %get3A_225, %min3A_227 : vector<16xi32>
    %max3A_229 = arith.constant -4096 : i32
    %max3A_230 = vector.broadcast %max3A_229 : i32 to vector<16xi32>
    %max3A_231 = arith.maxsi %min3A_228, %max3A_230 : vector<16xi32>
    %add3A_232 = arith.constant 4096 : i32
    %add3A_233 = vector.broadcast %add3A_232 : i32 to vector<16xi32>
    %add3A_234 = arith.addi %max3A_231, %add3A_233 : vector<16xi32>
    %swap3A_235 = arith.constant 224 : index
    %swap3A_236 = tpu.vector_load %arg5[%swap3A_235] {strides = array<i32>} : memref<256xi32, #tpu.memory_space<vmem>>, vector<16xi32>,
    %swap3A_237 = vector.shape_cast %swap3A_236 : vector<16xi32> to vector<16xi32>
    %swap3A_238 = vector.shape_cast %add3A_234 : vector<16xi32> to vector<16xi32>
    tpu.vector_store %arg5[%swap3A_235], %swap3A_238 {strides = array<i32>} : memref<256xi32, #tpu.memory_space<vmem>>, vector<16xi32>,
    %get3A_239 = arith.constant 240 : index
    %get3A_240 = tpu.vector_load %arg5[%get3A_239] {strides = array<i32>} : memref<256xi32, #tpu.memory_space<vmem>>, vector<16xi32>,
    %get3A_241 = vector.shape_cast %get3A_240 : vector<16xi32> to vector<16xi32>
    %min3A_242 = arith.constant 4095 : i32
    %min3A_243 = vector.broadcast %min3A_242 : i32 to vector<16xi32>
    %min3A_244 = arith.minsi %get3A_241, %min3A_243 : vector<16xi32>
    %max3A_245 = arith.constant -4096 : i32
    %max3A_246 = vector.broadcast %max3A_245 : i32 to vector<16xi32>
    %max3A_247 = arith.maxsi %min3A_244, %max3A_246 : vector<16xi32>
    %add3A_248 = arith.constant 4096 : i32
    %add3A_249 = vector.broadcast %add3A_248 : i32 to vector<16xi32>
    %add3A_250 = arith.addi %max3A_247, %add3A_249 : vector<16xi32>
    %swap3A_251 = arith.constant 240 : index
    %swap3A_252 = tpu.vector_load %arg5[%swap3A_251] {strides = array<i32>} : memref<256xi32, #tpu.memory_space<vmem>>, vector<16xi32>,
    %swap3A_253 = vector.shape_cast %swap3A_252 : vector<16xi32> to vector<16xi32>
    %swap3A_254 = vector.shape_cast %add3A_250 : vector<16xi32> to vector<16xi32>
    tpu.vector_store %arg5[%swap3A_251], %swap3A_254 {strides = array<i32>} : memref<256xi32, #tpu.memory_space<vmem>>, vector<16xi32>,
    %dma_start3A = arith.constant 0 : i32
    %dma_start3A_255 = tpu.memref_slice %arg5[%dma_start3A] : memref<256xi32, #tpu.memory_space<vmem>> -> memref<16xi32, #tpu.memory_space<vmem>>
    %dma_start3A_256 = arith.constant 0 : i32
    %dma_start3A_257 = arith.constant 0 : i32
    %dma_start3A_258 = tpu.memref_slice %arg3[%dma_start3A_256, %dma_start3A_257] : memref<8192x2048xf32, #tpu.memory_space<hbm>> -> memref<8192x2048xf32, #tpu.memory_space<hbm>>
    tpu.enqueue_indirect_dma source(%dma_start3A_258 : memref<8192x2048xf32, #tpu.memory_space<hbm>>) target(%arg6 : memref<16x2048xf32, #tpu.memory_space<vmem>>) offsets(%dma_start3A_255 : memref<16xi32, #tpu.memory_space<vmem>>) semaphore(%arg8 : memref<!tpu.dma_semaphore, #tpu.memory_space<semaphore_mem>>)
    %scan3A = arith.constant 0 : i32
    %scan3A_259 = arith.constant 15 : i32
    %scan3A_260 = arith.addi %scan3A, %scan3A_259 : i32
    %scan3A_261 = arith.constant 1 : i32
    scf.for %scan3A_269 = %scan3A to %scan3A_260 step %scan3A_261  : i32 {
      %mul3A_270 = arith.constant 1 : i32
      %mul3A_271 = arith.muli %scan3A_269, %mul3A_270 : i32
      %add3A_272 = arith.constant 0 : i32
      %add3A_273 = arith.addi %add3A_272, %mul3A_271 : i32
      %jit3A = arith.constant 2 : i32
      %eq3A = arith.constant 0 : i32
      %eq3A_274 = arith.cmpi eq, %jit3A, %eq3A : i32
      %jit3A_275 = arith.constant 1 : i32
      %select_n3A = arith.select %eq3A_274, %jit3A_275, %jit3A : i32
      %rem3A = arith.remsi %add3A_273, %select_n3A : i32
      %ne3A = arith.constant 0 : i32
      %ne3A_276 = arith.cmpi ne, %rem3A, %ne3A : i32
      %lt3A = arith.constant 0 : i32
      %lt3A_277 = arith.cmpi slt, %rem3A, %lt3A : i32
      %lt3A_278 = arith.constant 0 : i32
      %lt3A_279 = arith.cmpi slt, %select_n3A, %lt3A_278 : i32
      %ne3A_280 = arith.xori %lt3A_277, %lt3A_279 : i1
      %and3A = arith.andi %ne3A_280, %ne3A_276 : i1
      %add3A_281 = arith.addi %rem3A, %select_n3A : i32
      %select_n3A_282 = arith.select %and3A, %add3A_281, %rem3A : i32
      %eq3A_283 = arith.constant 0 : i32
      %eq3A_284 = arith.cmpi eq, %select_n3A_282, %eq3A_283 : i32
      %convert_element_type3A = arith.extui %eq3A_284 : i1 to i32
      %cond3A = arith.constant 0 : i32
      %cond3A_285 = arith.cmpi ne, %convert_element_type3A, %cond3A : i32
      scf.if %cond3A_285 {
        %add3A_307 = arith.constant 1 : i32
        %add3A_308 = arith.addi %add3A_273, %add3A_307 : i32
        %mul3A_309 = arith.constant 16 : i32
        %mul3A_310 = arith.muli %add3A_308, %mul3A_309 : i32
        %dma_start3A_311 = tpu.memref_slice %arg5[%mul3A_310] : memref<256xi32, #tpu.memory_space<vmem>> -> memref<16xi32, #tpu.memory_space<vmem>>
        %dma_start3A_312 = arith.constant 0 : i32
        %dma_start3A_313 = arith.constant 0 : i32
        %dma_start3A_314 = tpu.memref_slice %arg3[%dma_start3A_312, %dma_start3A_313] : memref<8192x2048xf32, #tpu.memory_space<hbm>> -> memref<8192x2048xf32, #tpu.memory_space<hbm>>
        tpu.enqueue_indirect_dma source(%dma_start3A_314 : memref<8192x2048xf32, #tpu.memory_space<hbm>>) target(%arg7 : memref<16x2048xf32, #tpu.memory_space<vmem>>) offsets(%dma_start3A_311 : memref<16xi32, #tpu.memory_space<vmem>>) semaphore(%arg9 : memref<!tpu.dma_semaphore, #tpu.memory_space<semaphore_mem>>)
        %mul3A_315 = arith.constant 16 : i32
        %mul3A_316 = arith.muli %add3A_273, %mul3A_315 : i32
        %dma_wait3A_317 = tpu.memref_slice %arg5[%mul3A_316] : memref<256xi32, #tpu.memory_space<vmem>> -> memref<16xi32, #tpu.memory_space<vmem>>
        %dma_wait3A_318 = arith.constant 0 : i32
        %dma_wait3A_319 = arith.constant 0 : i32
        %dma_wait3A_320 = tpu.memref_slice %arg3[%dma_wait3A_318, %dma_wait3A_319] : memref<8192x2048xf32, #tpu.memory_space<hbm>> -> memref<8192x2048xf32, #tpu.memory_space<hbm>>
        tpu.wait_indirect_dma semaphore(%arg8 : memref<!tpu.dma_semaphore, #tpu.memory_space<semaphore_mem>>) src(%dma_wait3A_320 : memref<8192x2048xf32, #tpu.memory_space<hbm>>) dst(%arg6 : memref<16x2048xf32, #tpu.memory_space<vmem>>)
        %mul3A_321 = arith.constant 16 : i32
        %mul3A_322 = arith.muli %add3A_273, %mul3A_321 : i32
        %add3A_323 = arith.addi %mul3A_2, %mul3A_322 : i32
        "tpu.region"() ({
          %run_scoped3A = tpu.sem_alloc : memref<!tpu.dma_semaphore, #tpu.memory_space<semaphore_mem>>
          %dma_start3A_324 = arith.constant 0 : i32
          %dma_start3A_325 = tpu.memref_slice %arg4[%add3A_323, %dma_start3A_324] : memref<8192x2048xf32, #tpu.memory_space<hbm>> -> memref<16x2048xf32, #tpu.memory_space<hbm>>
          %dma_start3A_326 = arith.constant 0 : i32
          %dma_start3A_327 = tpu.memref_slice %arg4[%add3A_323, %dma_start3A_326] : memref<8192x2048xf32, #tpu.memory_space<hbm>> -> memref<16x2048xf32, #tpu.memory_space<hbm>>
          tpu.enqueue_dma source(%arg6 : memref<16x2048xf32, #tpu.memory_space<vmem>>) target(%dma_start3A_327 : memref<16x2048xf32, #tpu.memory_space<hbm>>) target_semaphore(%run_scoped3A : memref<!tpu.dma_semaphore, #tpu.memory_space<semaphore_mem>>)
          %dma_wait3A_328 = arith.constant 0 : i32
          %dma_wait3A_329 = tpu.memref_slice %arg4[%add3A_323, %dma_wait3A_328] : memref<8192x2048xf32, #tpu.memory_space<hbm>> -> memref<16x2048xf32, #tpu.memory_space<hbm>>
          %dma_wait3A_330 = arith.constant 0 : i32
          %dma_wait3A_331 = tpu.memref_slice %arg4[%add3A_323, %dma_wait3A_330] : memref<8192x2048xf32, #tpu.memory_space<hbm>> -> memref<16x2048xf32, #tpu.memory_space<hbm>>
          tpu.wait_dma2 semaphore(%run_scoped3A : memref<!tpu.dma_semaphore, #tpu.memory_space<semaphore_mem>>) src(%arg6 : memref<16x2048xf32, #tpu.memory_space<vmem>>) dst(%dma_wait3A_331 : memref<16x2048xf32, #tpu.memory_space<hbm>>)
          tpu.yield
        }) : () -> ()
      } else {
      }
      %jit3A_286 = arith.constant 2 : i32
      %eq3A_287 = arith.constant 0 : i32
      %eq3A_288 = arith.cmpi eq, %jit3A_286, %eq3A_287 : i32
      %jit3A_289 = arith.constant 1 : i32
      %select_n3A_290 = arith.select %eq3A_288, %jit3A_289, %jit3A_286 : i32
      %rem3A_291 = arith.remsi %add3A_273, %select_n3A_290 : i32
      %ne3A_292 = arith.constant 0 : i32
      %ne3A_293 = arith.cmpi ne, %rem3A_291, %ne3A_292 : i32
      %lt3A_294 = arith.constant 0 : i32
      %lt3A_295 = arith.cmpi slt, %rem3A_291, %lt3A_294 : i32
      %lt3A_296 = arith.constant 0 : i32
      %lt3A_297 = arith.cmpi slt, %select_n3A_290, %lt3A_296 : i32
      %ne3A_298 = arith.xori %lt3A_295, %lt3A_297 : i1
      %and3A_299 = arith.andi %ne3A_298, %ne3A_293 : i1
      %add3A_300 = arith.addi %rem3A_291, %select_n3A_290 : i32
      %select_n3A_301 = arith.select %and3A_299, %add3A_300, %rem3A_291 : i32
      %eq3A_302 = arith.constant 1 : i32
      %eq3A_303 = arith.cmpi eq, %select_n3A_301, %eq3A_302 : i32
      %convert_element_type3A_304 = arith.extui %eq3A_303 : i1 to i32
      %cond3A_305 = arith.constant 0 : i32
      %cond3A_306 = arith.cmpi ne, %convert_element_type3A_304, %cond3A_305 : i32
      scf.if %cond3A_306 {
        %add3A_307 = arith.constant 1 : i32
        %add3A_308 = arith.addi %add3A_273, %add3A_307 : i32
        %mul3A_309 = arith.constant 16 : i32
        %mul3A_310 = arith.muli %add3A_308, %mul3A_309 : i32
        %dma_start3A_311 = tpu.memref_slice %arg5[%mul3A_310] : memref<256xi32, #tpu.memory_space<vmem>> -> memref<16xi32, #tpu.memory_space<vmem>>
        %dma_start3A_312 = arith.constant 0 : i32
        %dma_start3A_313 = arith.constant 0 : i32
        %dma_start3A_314 = tpu.memref_slice %arg3[%dma_start3A_312, %dma_start3A_313] : memref<8192x2048xf32, #tpu.memory_space<hbm>> -> memref<8192x2048xf32, #tpu.memory_space<hbm>>
        tpu.enqueue_indirect_dma source(%dma_start3A_314 : memref<8192x2048xf32, #tpu.memory_space<hbm>>) target(%arg6 : memref<16x2048xf32, #tpu.memory_space<vmem>>) offsets(%dma_start3A_311 : memref<16xi32, #tpu.memory_space<vmem>>) semaphore(%arg8 : memref<!tpu.dma_semaphore, #tpu.memory_space<semaphore_mem>>)
        %mul3A_315 = arith.constant 16 : i32
        %mul3A_316 = arith.muli %add3A_273, %mul3A_315 : i32
        %dma_wait3A_317 = tpu.memref_slice %arg5[%mul3A_316] : memref<256xi32, #tpu.memory_space<vmem>> -> memref<16xi32, #tpu.memory_space<vmem>>
        %dma_wait3A_318 = arith.constant 0 : i32
        %dma_wait3A_319 = arith.constant 0 : i32
        %dma_wait3A_320 = tpu.memref_slice %arg3[%dma_wait3A_318, %dma_wait3A_319] : memref<8192x2048xf32, #tpu.memory_space<hbm>> -> memref<8192x2048xf32, #tpu.memory_space<hbm>>
        tpu.wait_indirect_dma semaphore(%arg9 : memref<!tpu.dma_semaphore, #tpu.memory_space<semaphore_mem>>) src(%dma_wait3A_320 : memref<8192x2048xf32, #tpu.memory_space<hbm>>) dst(%arg7 : memref<16x2048xf32, #tpu.memory_space<vmem>>)
        %mul3A_321 = arith.constant 16 : i32
        %mul3A_322 = arith.muli %add3A_273, %mul3A_321 : i32
        %add3A_323 = arith.addi %mul3A_2, %mul3A_322 : i32
        "tpu.region"() ({
          %run_scoped3A = tpu.sem_alloc : memref<!tpu.dma_semaphore, #tpu.memory_space<semaphore_mem>>
          %dma_start3A_324 = arith.constant 0 : i32
          %dma_start3A_325 = tpu.memref_slice %arg4[%add3A_323, %dma_start3A_324] : memref<8192x2048xf32, #tpu.memory_space<hbm>> -> memref<16x2048xf32, #tpu.memory_space<hbm>>
          %dma_start3A_326 = arith.constant 0 : i32
          %dma_start3A_327 = tpu.memref_slice %arg4[%add3A_323, %dma_start3A_326] : memref<8192x2048xf32, #tpu.memory_space<hbm>> -> memref<16x2048xf32, #tpu.memory_space<hbm>>
          tpu.enqueue_dma source(%arg7 : memref<16x2048xf32, #tpu.memory_space<vmem>>) target(%dma_start3A_327 : memref<16x2048xf32, #tpu.memory_space<hbm>>) target_semaphore(%run_scoped3A : memref<!tpu.dma_semaphore, #tpu.memory_space<semaphore_mem>>)
          %dma_wait3A_328 = arith.constant 0 : i32
          %dma_wait3A_329 = tpu.memref_slice %arg4[%add3A_323, %dma_wait3A_328] : memref<8192x2048xf32, #tpu.memory_space<hbm>> -> memref<16x2048xf32, #tpu.memory_space<hbm>>
          %dma_wait3A_330 = arith.constant 0 : i32
          %dma_wait3A_331 = tpu.memref_slice %arg4[%add3A_323, %dma_wait3A_330] : memref<8192x2048xf32, #tpu.memory_space<hbm>> -> memref<16x2048xf32, #tpu.memory_space<hbm>>
          tpu.wait_dma2 semaphore(%run_scoped3A : memref<!tpu.dma_semaphore, #tpu.memory_space<semaphore_mem>>) src(%arg7 : memref<16x2048xf32, #tpu.memory_space<vmem>>) dst(%dma_wait3A_331 : memref<16x2048xf32, #tpu.memory_space<hbm>>)
          tpu.yield
        }) : () -> ()
      } else {
      }
    }
    %scan3A_262 = arith.constant 15 : i32
    %dma_wait3A = arith.constant 240 : i32
    %dma_wait3A_263 = tpu.memref_slice %arg5[%dma_wait3A] : memref<256xi32, #tpu.memory_space<vmem>> -> memref<16xi32, #tpu.memory_space<vmem>>
    %dma_wait3A_264 = arith.constant 0 : i32
    %dma_wait3A_265 = arith.constant 0 : i32
    %dma_wait3A_266 = tpu.memref_slice %arg3[%dma_wait3A_264, %dma_wait3A_265] : memref<8192x2048xf32, #tpu.memory_space<hbm>> -> memref<8192x2048xf32, #tpu.memory_space<hbm>>
    tpu.wait_indirect_dma semaphore(%arg9 : memref<!tpu.dma_semaphore, #tpu.memory_space<semaphore_mem>>) src(%dma_wait3A_266 : memref<8192x2048xf32, #tpu.memory_space<hbm>>) dst(%arg7 : memref<16x2048xf32, #tpu.memory_space<vmem>>)
    %add3A_267 = arith.constant 240 : i32
    %add3A_268 = arith.addi %mul3A_2, %add3A_267 : i32
    "tpu.region"() ({
      %run_scoped3A = tpu.sem_alloc : memref<!tpu.dma_semaphore, #tpu.memory_space<semaphore_mem>>
      %dma_start3A_269 = arith.constant 0 : i32
      %dma_start3A_270 = tpu.memref_slice %arg4[%add3A_268, %dma_start3A_269] : memref<8192x2048xf32, #tpu.memory_space<hbm>> -> memref<16x2048xf32, #tpu.memory_space<hbm>>
      %dma_start3A_271 = arith.constant 0 : i32
      %dma_start3A_272 = tpu.memref_slice %arg4[%add3A_268, %dma_start3A_271] : memref<8192x2048xf32, #tpu.memory_space<hbm>> -> memref<16x2048xf32, #tpu.memory_space<hbm>>
      tpu.enqueue_dma source(%arg7 : memref<16x2048xf32, #tpu.memory_space<vmem>>) target(%dma_start3A_272 : memref<16x2048xf32, #tpu.memory_space<hbm>>) target_semaphore(%run_scoped3A : memref<!tpu.dma_semaphore, #tpu.memory_space<semaphore_mem>>)
      %dma_wait3A_273 = arith.constant 0 : i32
      %dma_wait3A_274 = tpu.memref_slice %arg4[%add3A_268, %dma_wait3A_273] : memref<8192x2048xf32, #tpu.memory_space<hbm>> -> memref<16x2048xf32, #tpu.memory_space<hbm>>
      %dma_wait3A_275 = arith.constant 0 : i32
      %dma_wait3A_276 = tpu.memref_slice %arg4[%add3A_268, %dma_wait3A_275] : memref<8192x2048xf32, #tpu.memory_space<hbm>> -> memref<16x2048xf32, #tpu.memory_space<hbm>>
      tpu.wait_dma2 semaphore(%run_scoped3A : memref<!tpu.dma_semaphore, #tpu.memory_space<semaphore_mem>>) src(%arg7 : memref<16x2048xf32, #tpu.memory_space<vmem>>) dst(%dma_wait3A_276 : memref<16x2048xf32, #tpu.memory_space<hbm>>)
      tpu.yield
    }) : () -> ()
    return
  }
}

</mosaic_0001>

<sc_bundles>
// kernel: kernel.3.cloned.1.call-start
scs
__scs_entry_jumppad:
0x0: {  	(pc) =	sbr.rel $0x88, $3  }
0x1: {  	(tag) =	ssettag $0x0;
	lr =	simm.s32 $0x1  }
0x2: {  	[smem:$0x3F9F] =	sst lr;
	_ =	strace $0xD0000000  }
0x3: {  	_ = 	snop  }
0x4: {  	_ = 	snop  }
0x5: {  	_ = 	snop  }
0x6: {  	_ = 	snop  }
0x7: {  	_ = 	snop  }
__scs_overlays_trampoline_lowered:
0x8: {  	[smem:$0x3FAE] =	sst s0  }
0x9: {  	[smem:$0x3FAF] =	sst s1  }
0xa: {  	[smem:$0x3FB0] =	sst s2  }
0xb: {  	[smem:$0x3FB1] =	sst s3  }
0xc: {  	[smem:$0x3FB2] =	sst s4  }
0xd: {  	[smem:$0x3FB3] =	sst s5  }
0xe: {  	[smem:$0x3FB4] =	sst s6  }
0xf: {  	[smem:$0x3FB5] =	sst s7  }
0x10: {  	[smem:$0x3FB6] =	sst s8  }
0x11: {  	[smem:$0x3FB7] =	sst s9;
	s0 =	simm.s32 @!p0 $0x0  }
0x12: {  	s1 =	sld [smem:$0x3F9D];
	s0 =	simm.s32 @p0 $0x1  }
0x13: {  	[smem:$0x3FB8] =	sst s0;
	s0 =	simm.s32 @!p1 $0x0  }
0x14: {  	s2 =	sld [smem:$0x3F9C];
	s0 =	simm.s32 @p1 $0x1  }
0x15: {  	[smem:$0x3FB9] =	sst s0;
	s0 =	simm.s32 @!p2 $0x0  }
0x16: {  	s3 =	sld [smem:$0x3FDB];
	s0 =	simm.s32 @p2 $0x1  }
0x17: {  	s4 =	simm.s32 $0x1BF5;
	[smem:$0x3FBB] =	sst s0  }
0x18: {  	s0 =	sld [smem:$0x3F9E];
	_ =	swait.ge [sflag:s4], $0x0  }
0x19: {  	s7 =	sld [smem:$0x3F9F]  }
0x1a: {  	s8 =	sadd.s32 $0xFFFFE003, lr  }
0x1b: {  	s9 =	sadd.s32 $0xFFFFFEF7, lr;
	s5 =	simm.s32 $0xFFFFFFFF;
	p2 =	slt.u32 s8, $0xFFFFF086  }
0x1c: {  	p1 =	slt.u32 s9, $0xF7A;
	s5 =	simm.s32 @!p2 $0x0  }
0x1d: {  	s5 =	simm.s32 @p1 $0x1;
	p0 =	seq.s32 s7, s2  }
0x1e: {  	s7 =	smul.u32 @!p0 $0xF7A, s2;
	p2 =	seq.s32 @!p0 s5, $0x0  }
0x1f: {  	s9 =	smul.u32 $0xF7A, s1;
	s8 =	simm.s32 @!p0 $0x1BF5;
	p2 =	por !p2, p0  }
0x20: {  	[sflag:s8] =	ssyncset.s32 @!p0 $0xFFFFF086;
	s6 =	sadd.s32 @!p0 s3, s7;
	s7 =	simm.s32 @!p0 $0x108  }
0x21: {  	s3 =	sadd.s32 s3, s9;
	s6 =	sadd.s32 @!p0 $0x88, s6;
	s7 =	simm.s32 @p2 $0x1082  }
0x22: {  	[simem:s7], [sflag:s8] =	dma.local @!p0 [hbm:s6], $0xF7A  }
0x23: {  	s9 =	sor.u32 $0xD0000000, s2;
	s6 =	simm.s32 $0x108;
	_ =	swait.ge @!p0 [sflag:s8], $0x0  }
0x24: {  	s3 =	sadd.s32 $0x88, s3;
	s6 =	simm.s32 @!p1 $0x1082;
	[sflag:s4] =	ssyncset.s32 $0xFFFFF086  }
0x25: {  	[simem:s6], [sflag:s4] =	dma.local [hbm:s3], $0xF7A  }
0x26: {  	[smem:$0x3F9F] =	sst s1;
	(tag) =	ssettag s2;
	_ =	strace s9  }
0x27: {  	s1 =	sld [smem:$0x3FAF]  }
0x28: {  	s2 =	sld [smem:$0x3FB0]  }
0x29: {  	s4 =	sld [smem:$0x3FB2]  }
0x2a: {  	p0 =	seq.s32 s5, $0x0;
	s5 =	sld [smem:$0x3FB3]  }
0x2b: {  	s6 =	sld [smem:$0x3FB4]  }
0x2c: {  	s7 =	sld [smem:$0x3FB5]  }
0x2d: {  	s3 =	simm.s32 $0x108;
	s8 =	sld [smem:$0x3FB6]  }
0x2e: {  	s3 =	simm.s32 @!p0 $0x1082;
	s9 =	sld [smem:$0x3FB7]  }
0x2f: {  	lr =	sadd.s32 s0, s3;
	s0 =	sld [smem:$0x3FAE]  }
0x30: {  	s3 =	sld [smem:$0x3FB1]  }
0x31: {  	[smem:$0x3FBA] =	sst s10  }
0x32: {  	s10 =	sld [smem:$0x3FB8];
	_ =	sdelay $0x3  }
0x33: {  	p0 =	seq.s32 s10, $0x1;
	s10 =	sld [smem:$0x3FBA];
	_ =	sdelay $0x3  }
0x34: {  	[smem:$0x3FBA] =	sst s10  }
0x35: {  	s10 =	sld [smem:$0x3FB9];
	_ =	sdelay $0x3  }
0x36: {  	p1 =	seq.s32 s10, $0x1;
	s10 =	sld [smem:$0x3FBA];
	_ =	sdelay $0x3  }
0x37: {  	[smem:$0x3FBA] =	sst s10  }
0x38: {  	s10 =	sld [smem:$0x3FBB]  }
0x39: {  	_ = 	snop;
	(pc) =	sbr.ind lr, $3  }
0x3a: {  	_ = 	snop  }
0x3b: {  	_ = 	snop  }
0x3c: {  	p2 =	seq.s32 s10, $0x1;
	s10 =	sld [smem:$0x3FBA]  }
0x3d: {  	_ =	shalt  }
0x3e: {  	_ =	shalt  }
0x3f: {  	_ =	shalt  }
0x40: {  	_ =	shalt  }
0x41: {  	_ =	shalt  }
0x42: {  	_ =	shalt  }
0x43: {  	_ =	shalt  }
0x44: {  	_ =	shalt  }
0x45: {  	_ =	shalt  }
0x46: {  	_ =	shalt  }
0x47: {  	_ =	shalt  }
0x48: {  	_ =	shalt  }
0x49: {  	_ =	shalt  }
0x4a: {  	_ =	shalt  }
0x4b: {  	_ =	shalt  }
0x4c: {  	_ =	shalt  }
0x4d: {  	_ =	shalt  }
0x4e: {  	_ =	shalt  }
0x4f: {  	_ =	shalt  }
0x50: {  	_ =	shalt  }
0x51: {  	_ =	shalt  }
0x52: {  	_ =	shalt  }
0x53: {  	_ =	shalt  }
0x54: {  	_ =	shalt  }
0x55: {  	_ =	shalt  }
0x56: {  	_ =	shalt  }
0x57: {  	_ =	shalt  }
0x58: {  	_ =	shalt  }
0x59: {  	_ =	shalt  }
0x5a: {  	_ =	shalt  }
0x5b: {  	_ =	shalt  }
0x5c: {  	_ =	shalt  }
0x5d: {  	_ =	shalt  }
0x5e: {  	_ =	shalt  }
0x5f: {  	_ =	shalt  }
0x60: {  	_ =	shalt  }
0x61: {  	_ =	shalt  }
0x62: {  	_ =	shalt  }
0x63: {  	_ =	shalt  }
0x64: {  	_ =	shalt  }
0x65: {  	_ =	shalt  }
0x66: {  	_ =	shalt  }
0x67: {  	_ =	shalt  }
0x68: {  	_ =	shalt  }
0x69: {  	_ =	shalt  }
0x6a: {  	_ =	shalt  }
0x6b: {  	_ =	shalt  }
0x6c: {  	_ =	shalt  }
0x6d: {  	_ =	shalt  }
0x6e: {  	_ =	shalt  }
0x6f: {  	_ =	shalt  }
0x70: {  	_ =	shalt  }
0x71: {  	_ =	shalt  }
0x72: {  	_ =	shalt  }
0x73: {  	_ =	shalt  }
0x74: {  	_ =	shalt  }
0x75: {  	_ =	shalt  }
0x76: {  	_ =	shalt  }
0x77: {  	_ =	shalt  }
0x78: {  	_ =	shalt  }
0x79: {  	_ =	shalt  }
0x7a: {  	_ =	shalt  }
0x7b: {  	_ =	shalt  }
0x7c: {  	_ =	shalt  }
0x7d: {  	_ =	shalt  }
0x7e: {  	_ =	shalt  }
0x7f: {  	_ =	shalt  }
0x80: {  	_ =	shalt  }
0x81: {  	_ =	shalt  }
0x82: {  	_ =	shalt  }
0x83: {  	_ =	shalt  }
0x84: {  	_ =	shalt  }
0x85: {  	_ =	shalt  }
0x86: {  	_ =	shalt  }
0x87: {  	_ =	shalt  }
.Lfunc_end0:
.L_simem_size_0:
called_computation_lowered:
.L_overlay_start_0:
0x88: {  	s2 =	sld [smem:$0x3FD9]  }
0x89: {  	s3 =	sld [smem:$0x3FFE];
	_ =	sdelay $0x1  }
0x8a: {  	s1 =	srdreg.scid  }
0x8b: {  	s0 =	sand.u32 $0x1, s1  }
0x8c: {  	s18 =	sshll.u32 s0, $0xA;
	s2 =	sadd.s32 s3, s2  }
0x8d: {  	s2 =	sadd.s32 s2, s18  }
0x8e: {  	[smem:$0x3FC6] =	sst s2  }
0x8f: {  	_ = 	snop  }
0x90: {  	s2 =	sld [smem:$0x3FC9]  }
0x91: {  	s19 =	sld [smem:$0x3FC8]  }
0x92: {  	s4 =	sld [smem:$0x3FD0];
	(tm) =	ssettm $0x1  }
0x93: {  	s5 =	sld [smem:$0x3FFB];
	_ =	sdelay $0x3  }
0x94: {  	_ =	strace s5  }
0x95: {  	s5 =	sld [smem:$0x3FFC];
	_ =	sdelay $0x3  }
0x96: {  	_ =	strace s5  }
0x97: {  	s5 =	sld [smem:$0x3FFD];
	_ =	sdelay $0x3  }
0x98: {  	_ =	strace s5  }
0x99: {  	_ =	strace $0x8FFFFFFF  }
0x9a: {  	s20 =	sld [smem:$0x3FDB];
	_ =	sdelay $0x1  }
0x9b: {  	s6 =	simm.s32 $_scs_section_size  }
0x9c: {  	s7 =	simm.s32 $_size__tile_overlayer_lowered;
	s8 =	simm.s32 $_tile_overlayer_lowered  }
0x9d: {  	s23 =	simm.s32 $0x1BFF;
	s22 =	sshll.u32 s8, $0x1;
	s5 =	sadd.s32 s6, s20  }
0x9e: {  	s9 =	simm.s32 $0x0;
	s21 =	sshll.u32 s7, $0x1;
	s7 =	sadd.s32 s22, s5  }
0x9f: {  	[timem:s9], [sflag:s23] =	dma.local [hbm:s7], s21  }
0xa0: {  	_ =	swait.ge [sflag:s23], s21  }
0xa1: {  	s6 =	ssub.s32 $0x0, s21;
	[sflag:s23] =	ssyncset.done $0x0  }
0xa2: {  	[sflag:s23] =	ssyncadd.s32 s6;
	_ =	sdelay $0x1  }
0xa3: {  	s24 =	simm.s32 $0x1B8B  }
0xa4: {  	_ =	swait.ge [sflag:s24], $0x1  }
0xa5: {  	[sflag:s24] =	ssyncset.done $0x0  }
0xa6: {  	s25 =	simm.s32 $0x1B8E;
	[sflag:s24] =	ssyncadd.s32 $0xFFFFFFFF  }
0xa7: {  	s26 =	simm.s32 $execute0_lowered;
	[smem:$0x3FD2] =	sst s25  }
0xa8: {  	s6 =	sshll.u32 s26, $0x1;
	_ =	strace $0x80000046;
	[dreg:$0x1] =	wrdreg $0xFFFFFFFF  }
0xa9: {  	s28 =	simm.s32 $_size_execute0_lowered;
	s5 =	sadd.s32 s5, s6;
	[dreg:$0x0] =	wrdreg $0x0  }
0xaa: {  	s6 =	sshll.u32 s28, $0x1;
	[dreg:$0x2] =	wrdreg s5  }
0xab: {  	[dreg:$0x3] =	wrdreg s6  }
0xac: {  	[dreg:$0x4] =	wrdreg $0xC0  }
0xad: {  	_ =	task [dreg:s9], $0x5FFFF  }
0xae: {  	[dreg:$0x1] =	wrdreg $0xFFFFFFFF  }
0xaf: {  	[dreg:$0x0] =	wrdreg $0x60  }
0xb0: {  	[dreg:$0x2] =	wrdreg s2  }
0xb1: {  	[dreg:$0x3] =	wrdreg s19  }
0xb2: {  	[dreg:$0x4] =	wrdreg s4  }
0xb3: {  	[dreg:$0x5] =	wrdreg $0x9  }
0xb4: {  	_ =	task.clear_ibuf [dreg:s9], $0x6FFFF;
	_ =	strace $0x90000046  }
0xb5: {  	s29 =	simm.s32 $0x9;
	_ =	strace $0x80000048  }
0xb6: {  	_ =	swait.ge [sflag:s29], $0x1  }
0xb7: {  	[sflag:s29] =	ssyncadd.s32 $0xFFFFFFFF  }
0xb8: {  	_ =	strace $0x90000048  }
0xb9: {  	_ =	sfence  }
0xba: {  	s30 =	sld [smem:$0x0];
	_ =	sdelay $0x2  }
0xbb: {  	s31 =	sshll.u32 s1, $0xD;
	s1 =	sshrl.u32 s1, $0x2  }
0xbc: {  	s3 =	sand.u32 $0x4000, s31;
	s1 =	sadd.s32 s1, s30  }
0xbd: {  	s0 =	sor.u32 s3, s0;
	s1 =	sshll.u32 s1, $0x11  }
0xbe: {  	s0 =	sor.u32 s1, s0  }
0xbf: {  	s0 =	sadd.s32 $0x8F2B, s0  }
0xc0: {  	[sflag:s0] =	ssyncadd.remote.s32 $0x1  }
0xc1: {  	_ =	sfence.sel $0xFFFF  }
0xc2: {  	[dreg:$0x0] =	wrdreg $0xFFFFFFFF;
	(pc) =	sbr.abs _section_cstart, $3  }
0xc3: {  	[dreg:$0x1] =	wrdreg $0xFFFFFFFF  }
0xc4: {  	_ =	task.clear_ibuf [dreg:s9], $0x2FFFF;
	_ =	strace $0x9FFFFFFF  }
0xc5: {  	(tm) =	ssettm $0x7FFFFFFF  }
tec
execute0_lowered:
.L_overlay_start_1:
0x0: {  	(tag) =	ssettag $0x1  }
0x1: {  	s0 =	rddreg [dreg:$0x0]  }
0x2: {  	s2 =	rddreg [dreg:$0x1];
	s1 =	srdreg.scid  }
0x3: {  	s4 =	rddreg [dreg:$0x2];
	s14 =	stileid.u32;
	s3 =	simm.s32 $0x0  }
0x4: {  	s17 =	simm.s32 $0x3;
	s16 =	simm.s32 $0x100;
	s28 =	simm.s32 $0x5900  }
0x5: {  	s29 =	simm.s32 $0x6100;
	s30 =	simm.s32 $0x6900;
	s31 =	simm.s32 $0x7100  }
0x6: {  	s18 =	simm.s32 $0xD100;
	s19 =	simm.s32 $0xE100;
	s20 =	simm.s32 $0xE900  }
0x7: {  	s15 =	simm.s32 $0xF100;
	s21 =	simm.s32 $0xF900;
	s1 =	sand.u32 $0x1, s1  }
0x8: {  	s5 =	sshll.u32 s14, $0x9;
	[smem:$0x7FF] =	sst s3;
	s8 =	sadd.s32 $0x400, s2  }
0x9: {  	s9 =	sadd.s32 $0x500, s2;
	s10 =	sadd.s32 $0x600, s2;
	s11 =	sadd.s32 $0x700, s2  }
0xa: {  	s24 =	sshll.u32 s14, $0x11;
	s14 =	simm.s32 $0xD900;
	s6 =	sshll.u32 s1, $0x8  }
0xb: {  	s7 =	ssub.s32 $0x2, s1;
	_ =	strace $0x80000047;
	s1 =	sshll.u32 s1, $0x10  }
0xc: {  	s12 =	sor.u32 s6, s5;
	s22 =	sshrl.u32 s7, $0x1;
	s5 =	sadd.s32 $0x100, s2  }
0xd: {  	s6 =	sshrl.u32 s12, $0x3;
	s13 =	ssub.s32 s7, s22;
	s7 =	sadd.s32 $0x300, s2  }
0xe: {  	s23 =	sshll.u32 s12, $0x8;
	s22 =	simm.s32 $0x2;
	s0 =	sadd.s32 s0, s6  }
0xf: {  	s6 =	sadd.s32 $0x200, s2;
	s25 =	smax.u32 s13, $0x1;
	s13 =	simm.s32 $0xC900  }
.Ltmp0:
0x10: {  	[dreg:$0x4] =	wrdreg s0;
	s0 =	sadd.s32 s23, s4;
	(pc) =	sbr.rel .LBB2_1-.Ltmp0, $4  }
0x11: {  	s4 =	sadd.s32 s24, s4;
	[dreg:$0x6] =	wrdreg s25;
	s25 =	simm.s32 $0x4900  }
0x12: {  	v2 =	vlaneseq.u32;
	s23 =	simm.s32 $0x0;
	s0 =	sadd.s32 $0xF000, s0;
	s26 =	sadd.s32 s1, s4  }
0x13: {  	vm0 =	vmmov $0xffff;
	v1 =	vshrl.u32 v2, $0x3;
	s1 =	simm.s32 $0x8100;
	s4 =	simm.s32 $0x1;
	[dreg:$0x5] =	wrdreg s0  }
0x14: {  	v0 =	vand.u32 $0x7, v2;
	v2 =	vor.u32 $0x8, v2;
	v1 =	vmul.u32 $0x8, v1;
	[dreg:$0x7] =	wrdreg s26;
	s26 =	simm.s32 $0x5100;
	s0 =	simm.s32 $0x7900  }
.LBB2_6:
0x15: {  	_ =	swait.ge [sflag:s22], $0x8000  }
0x16: {  	[sflag:s22] =	ssyncset.done $0x0  }
0x17: {  	s17 =	simm.s32 $0x3;
	s12 =	rddreg [dreg:$0x5];
	[sflag:s22] =	ssyncadd.s32 $0xFFFF8000  }
0x18: {  	[hbm4b:s12+s3] =	stream.linear.scatter [tilespmem:s1], [sflag:$0x3], $0x8000, $0x38;
	[tilespmem:$0x10100] =	vst v63  }
0x19: {  	_ =	swait.ge [sflag:s17], $0x8000  }
0x1a: {  	s23 =	rddreg [dreg:$0x8]  }
0x1b: {  	s24 =	rddreg [dreg:$0x6];
	s23 =	sadd.s32 $0x1, s23  }
0x1c: {  	p0 =	sne.s32 s23, s24  }
.Ltmp1:
0x1d: {  	_ = 	snop;
	(pc) =	sbr.rel @!p0 .LBB2_7-.Ltmp1, $3  }
0x1e: {  	_ =	sdelay $0x1  }
0x1f: {  	[sflag:s17] =	ssyncset.done $0x0  }
0x20: {  	[sflag:s17] =	ssyncadd.s32 $0xFFFF8000  }
.LBB2_1:
0x21: {  	[dreg:$0x8] =	wrdreg s23  }
0x22: {  	s12 =	rddreg [dreg:$0x4]  }
0x23: {  	[tilespmem:s3], [sflag:$0x3] =	stream.linear.gather [hbm4b:s12+s3], $0x100, $0x38;
	[tilespmem:$0x10100] =	vst v63  }
0x24: {  	_ =	swait.ge [sflag:s17], $0x100  }
0x25: {  	[sflag:s17] =	ssyncset.done $0x0  }
0x26: {  	[sflag:s17] =	ssyncadd.s32 $0xFFFFFF00  }
0x27: {  	v3 =	vld [tilespmem:$0x0];
	_ =	sdelay $0x1  }
0x28: {  	v4 =	vld [tilespmem:$0x10]  }
0x29: {  	v5 =	vld [tilespmem:$0x20]  }
0x2a: {  	v6 =	vld [tilespmem:$0x30]  }
0x2b: {  	vm1 =	vgt.s32 v3, $0xFFFFF000  }
0x2c: {  	v7 =	vld [tilespmem:$0x40];
	v3 =	vnsel vm1, $0xFFFFF000, v3  }
0x2d: {  	v8 =	vld [tilespmem:$0x50];
	vm1 =	vlt.s32 v3, $0xFFF  }
0x2e: {  	v9 =	vld [tilespmem:$0x60];
	v3 =	vnsel vm1, $0xFFF, v3;
	vm1 =	vgt.s32 v4, $0xFFFFF000  }
0x2f: {  	vm2 =	vgt.s32 v6, $0xFFFFF000;
	v4 =	vnsel vm1, $0xFFFFF000, v4;
	vm1 =	vgt.s32 v5, $0xFFFFF000  }
0x30: {  	v6 =	vnsel vm2, $0xFFFFF000, v6;
	v5 =	vnsel vm1, $0xFFFFF000, v5;
	vm1 =	vlt.s32 v4, $0xFFF  }
0x31: {  	v10 =	vld [tilespmem:$0x70];
	vm2 =	vlt.s32 v6, $0xFFF;
	v4 =	vnsel vm1, $0xFFF, v4;
	vm1 =	vlt.s32 v5, $0xFFF  }
0x32: {  	v11 =	vld [tilespmem:$0x80];
	v6 =	vnsel vm2, $0xFFF, v6;
	v5 =	vnsel vm1, $0xFFF, v5;
	vm1 =	vgt.s32 v7, $0xFFFFF000  }
0x33: {  	vm2 =	vgt.s32 v9, $0xFFFFF000;
	v7 =	vnsel vm1, $0xFFFFF000, v7;
	vm1 =	vgt.s32 v8, $0xFFFFF000  }
0x34: {  	v9 =	vnsel vm2, $0xFFFFF000, v9;
	v8 =	vnsel vm1, $0xFFFFF000, v8;
	vm1 =	vlt.s32 v7, $0xFFF  }
0x35: {  	v12 =	vld [tilespmem:$0x90];
	v14 =	vadd.s32 $0x1000, v3;
	v7 =	vnsel vm1, $0xFFF, v7;
	vm1 =	vlt.s32 v8, $0xFFF  }
0x36: {  	v13 =	vld [tilespmem:$0xA0];
	v6 =	vadd.s32 $0x1000, v6;
	v8 =	vnsel vm1, $0xFFF, v8;
	vm1 =	vgt.s32 v10, $0xFFFFF000  }
0x37: {  	v3 =	vand.u32 $0x7, v3;
	v10 =	vnsel vm1, $0xFFFFF000, v10;
	vm1 =	vgt.s32 v11, $0xFFFFF000  }
0x38: {  	vm2 =	vlt.s32 v9, $0xFFF;
	v11 =	vnsel vm1, $0xFFFFF000, v11;
	vm1 =	vlt.s32 v10, $0xFFF  }
0x39: {  	v15 =	vld [tilespmem:$0xB0];
	[tilespmem:$0x0] =	vst v14;
	v14 =	vshll.u32 v14, $0x4;
	v10 =	vnsel vm1, $0xFFF, v10;
	vm1 =	vlt.s32 v11, $0xFFF  }
0x3a: {  	v9 =	vnsel vm2, $0xFFF, v9;
	v11 =	vnsel vm1, $0xFFF, v11;
	vm1 =	vgt.s32 v12, $0xFFFFF000  }
0x3b: {  	v14 =	vand.u32 $0x7FFFFF80, v14;
	v12 =	vnsel vm1, $0xFFFFF000, v12;
	vm1 =	vgt.s32 v13, $0xFFFFF000  }
0x3c: {  	v44 =	vld [tilespmem:$0xC0];
	v4 =	vadd.s32 $0x1000, v4;
	v43 =	vnsel vm1, $0xFFFFF000, v13;
	vm1 =	vlt.s32 v12, $0xFFF  }
0x3d: {  	v47 =	vld [tilespmem:$0xD0];
	[tilespmem:$0x30] =	vst v6;
	v45 =	vadd.s32 $0x1000, v9;
	v46 =	vnsel vm1, $0xFFF, v12;
	vm1 =	vlt.s32 v43, $0xFFF  }
0x3e: {  	[tilespmem:$0x10] =	vst v4;
	v42 =	vadd.s32 $0x1000, v8;
	v8 =	vnsel vm1, $0xFFF, v43;
	vm1 =	vgt.s32 v15, $0xFFFFF000  }
0x3f: {  	v3 =	vor.u32 v3, v14;
	v5 =	vadd.s32 $0x1000, v5;
	[tilespmem:$0x60] =	vst v45;
	v50 =	vnsel vm1, $0xFFFFF000, v15  }
0x40: {  	v51 =	vld [tilespmem:$0xE0];
	v59 =	vperm.xlane v3, v0;
	[tilespmem:$0x20] =	vst v5;
	v7 =	vadd.s32 $0x1000, v7;
	vm1 =	vlt.s32 v50, $0xFFF  }
0x41: {  	v53 =	vld [tilespmem:$0xF0];
	[tilespmem:$0x40] =	vst v7;
	v48 =	vadd.s32 $0x1000, v10;
	v52 =	vnsel vm1, $0xFFF, v50;
	vm1 =	vgt.s32 v44, $0xFFFFF000  }
0x42: {  	[tilespmem:$0x50] =	vst v42;
	v49 =	vadd.s32 $0x1000, v11;
	v55 =	vnsel vm1, $0xFFFFF000, v44;
	vm1 =	vgt.s32 v47, $0xFFFFF000  }
0x43: {  	[tilespmem:$0x70] =	vst v48;
	v54 =	vadd.s32 $0x1000, v46;
	v57 =	vnsel vm1, $0xFFFFF000, v47;
	vm1 =	vlt.s32 v55, $0xFFF  }
0x44: {  	[tilespmem:$0x80] =	vst v49;
	v56 =	vadd.s32 $0x1000, v8;
	v9 =	vnsel vm1, $0xFFF, v55;
	vm1 =	vlt.s32 v57, $0xFFF  }
0x45: {  	[tilespmem:$0x90] =	vst v54;
	v8 =	vadd.s32 v1, v59;
	v58 =	vnsel vm1, $0xFFF, v57;
	vm1 =	vgt.s32 v51, $0xFFFFF000  }
0x46: {  	[tilespmem:$0xA0] =	vst v56;
	v4 =	vadd.s32 $0x1000, v52;
	v7 =	vnsel vm1, $0xFFFFF000, v51;
	vm1 =	vgt.s32 v53, $0xFFFFF000  }
0x47: {  	[tilespmem:$0xB0] =	vst v4;
	v60 =	vadd.s32 $0x1000, v9;
	v61 =	vnsel vm1, $0xFFFFF000, v53;
	vm1 =	vlt.s32 v7, $0xFFF  }
0x48: {  	[tilespmem:$0xC0] =	vst v60;
	v5 =	vadd.s32 $0x1000, v58;
	v62 =	vnsel vm1, $0xFFF, v7;
	vm1 =	vlt.s32 v61, $0xFFF  }
0x49: {  	[tilespmem:$0xD0] =	vst v5;
	v4 =	vnsel vm1, $0xFFF, v61;
	v63 =	vadd.s32 $0x1000, v62  }
0x4a: {  	[tilespmem:$0xE0] =	vst v63;
	v4 =	vadd.s32 $0x1000, v4  }
0x4b: {  	[tilespmem:$0xF0] =	vst v4  }
0x4c: {  	[tilespmem:s16], [sflag:$0x1] =	stream.indirect_vreg.gather [hbm4b:s2+s3], $0x80, v8, vm0, $0xb8;
	[tilespmem:$0x10100] =	vst v63  }
0x4d: {  	s23 =	simm.s32 $0x900  }
0x4e: {  	[tilespmem:s23], [sflag:$0x1] =	stream.indirect_vreg.gather [hbm4b:s5+s3], $0x80, v8, vm0, $0xb8;
	[tilespmem:$0x10100] =	vst v63  }
0x4f: {  	s24 =	simm.s32 $0x1100  }
0x50: {  	[tilespmem:s24], [sflag:$0x1] =	stream.indirect_vreg.gather [hbm4b:s6+s3], $0x80, v8, vm0, $0xb8;
	[tilespmem:$0x10100] =	vst v63  }
0x51: {  	s17 =	simm.s32 $0x1900  }
0x52: {  	[tilespmem:s17], [sflag:$0x1] =	stream.indirect_vreg.gather [hbm4b:s7+s3], $0x80, v8, vm0, $0xb8;
	[tilespmem:$0x10100] =	vst v63  }
0x53: {  	s23 =	simm.s32 $0x2100  }
0x54: {  	[tilespmem:s23], [sflag:$0x1] =	stream.indirect_vreg.gather [hbm4b:s8+s3], $0x80, v8, vm0, $0xb8;
	[tilespmem:$0x10100] =	vst v63  }
0x55: {  	v3 =	vperm.xlane v3, v2;
	s24 =	simm.s32 $0x2900  }
0x56: {  	[tilespmem:s24], [sflag:$0x1] =	stream.indirect_vreg.gather [hbm4b:s9+s3], $0x80, v8, vm0, $0xb8;
	[tilespmem:$0x10100] =	vst v63  }
0x57: {  	v3 =	vadd.s32 v1, v3;
	s17 =	simm.s32 $0x3100  }
0x58: {  	[tilespmem:s17], [sflag:$0x1] =	stream.indirect_vreg.gather [hbm4b:s10+s3], $0x80, v8, vm0, $0xb8;
	[tilespmem:$0x10100] =	vst v63  }
0x59: {  	s23 =	simm.s32 $0x3900  }
0x5a: {  	[tilespmem:s23], [sflag:$0x1] =	stream.indirect_vreg.gather [hbm4b:s11+s3], $0x80, v8, vm0, $0xb8;
	[tilespmem:$0x10100] =	vst v63  }
0x5b: {  	s24 =	simm.s32 $0x4100  }
0x5c: {  	[tilespmem:s24], [sflag:$0x1] =	stream.indirect_vreg.gather [hbm4b:s2+s3], $0x80, v3, vm0, $0xb8;
	[tilespmem:$0x10100] =	vst v63  }
0x5d: {  	_ = 	snop  }
0x5e: {  	[tilespmem:s25], [sflag:$0x1] =	stream.indirect_vreg.gather [hbm4b:s5+s3], $0x80, v3, vm0, $0xb8;
	[tilespmem:$0x10100] =	vst v63  }
0x5f: {  	_ = 	snop  }
0x60: {  	[tilespmem:s26], [sflag:$0x1] =	stream.indirect_vreg.gather [hbm4b:s6+s3], $0x80, v3, vm0, $0xb8;
	[tilespmem:$0x10100] =	vst v63  }
0x61: {  	_ = 	snop  }
0x62: {  	[tilespmem:s28], [sflag:$0x1] =	stream.indirect_vreg.gather [hbm4b:s7+s3], $0x80, v3, vm0, $0xb8;
	[tilespmem:$0x10100] =	vst v63  }
0x63: {  	_ = 	snop  }
0x64: {  	[tilespmem:s29], [sflag:$0x1] =	stream.indirect_vreg.gather [hbm4b:s8+s3], $0x80, v3, vm0, $0xb8;
	[tilespmem:$0x10100] =	vst v63  }
0x65: {  	_ = 	snop  }
0x66: {  	[tilespmem:s30], [sflag:$0x1] =	stream.indirect_vreg.gather [hbm4b:s9+s3], $0x80, v3, vm0, $0xb8;
	[tilespmem:$0x10100] =	vst v63  }
.Ltmp2:
0x67: {  	_ = 	snop;
	(pc) =	sbr.rel .LBB2_2-.Ltmp2, $4  }
0x68: {  	_ = 	snop  }
0x69: {  	[tilespmem:s31], [sflag:$0x1] =	stream.indirect_vreg.gather [hbm4b:s10+s3], $0x80, v3, vm0, $0xb8;
	[tilespmem:$0x10100] =	vst v63  }
0x6a: {  	s12 =	simm.s32 $0x10;
	s17 =	simm.s32 $0x0;
	s23 =	rddreg [dreg:$0x7]  }
0x6b: {  	[tilespmem:s0], [sflag:$0x1] =	stream.indirect_vreg.gather [hbm4b:s11+s3], $0x80, v3, vm0, $0xb8;
	[tilespmem:$0x10100] =	vst v63  }
.LBB2_4:
0x6c: {  	_ =	sdelay $0x3  }
0x6d: {  	[tilespmem:s16], [sflag:$0x1] =	stream.indirect_vreg.gather [hbm4b:s2+s3], $0x80, v3, vm0, $0xb8;
	[tilespmem:$0x10100] =	vst v63  }
0x6e: {  	s24 =	simm.s32 $0x900  }
0x6f: {  	[tilespmem:s24], [sflag:$0x1] =	stream.indirect_vreg.gather [hbm4b:s5+s3], $0x80, v3, vm0, $0xb8;
	[tilespmem:$0x10100] =	vst v63  }
0x70: {  	s24 =	simm.s32 $0x1100  }
0x71: {  	[tilespmem:s24], [sflag:$0x1] =	stream.indirect_vreg.gather [hbm4b:s6+s3], $0x80, v3, vm0, $0xb8;
	[tilespmem:$0x10100] =	vst v63  }
0x72: {  	s24 =	simm.s32 $0x1900  }
0x73: {  	[tilespmem:s24], [sflag:$0x1] =	stream.indirect_vreg.gather [hbm4b:s7+s3], $0x80, v3, vm0, $0xb8;
	[tilespmem:$0x10100] =	vst v63  }
0x74: {  	s24 =	simm.s32 $0x2100  }
0x75: {  	[tilespmem:s24], [sflag:$0x1] =	stream.indirect_vreg.gather [hbm4b:s8+s3], $0x80, v3, vm0, $0xb8;
	[tilespmem:$0x10100] =	vst v63  }
0x76: {  	v4 =	vperm.xlane v4, v2;
	s24 =	simm.s32 $0x2900  }
0x77: {  	[tilespmem:s24], [sflag:$0x1] =	stream.indirect_vreg.gather [hbm4b:s9+s3], $0x80, v3, vm0, $0xb8;
	[tilespmem:$0x10100] =	vst v63  }
0x78: {  	v4 =	vadd.s32 v1, v4;
	s24 =	simm.s32 $0x3100  }
0x79: {  	[tilespmem:s24], [sflag:$0x1] =	stream.indirect_vreg.gather [hbm4b:s10+s3], $0x80, v3, vm0, $0xb8;
	[tilespmem:$0x10100] =	vst v63  }
0x7a: {  	s24 =	simm.s32 $0x3900  }
0x7b: {  	[tilespmem:s24], [sflag:$0x1] =	stream.indirect_vreg.gather [hbm4b:s11+s3], $0x80, v3, vm0, $0xb8;
	[tilespmem:$0x10100] =	vst v63  }
0x7c: {  	s24 =	simm.s32 $0x4100  }
0x7d: {  	[tilespmem:s24], [sflag:$0x1] =	stream.indirect_vreg.gather [hbm4b:s2+s3], $0x80, v4, vm0, $0xb8;
	[tilespmem:$0x10100] =	vst v63  }
0x7e: {  	_ = 	snop  }
0x7f: {  	[tilespmem:s25], [sflag:$0x1] =	stream.indirect_vreg.gather [hbm4b:s5+s3], $0x80, v4, vm0, $0xb8;
	[tilespmem:$0x10100] =	vst v63  }
0x80: {  	_ = 	snop  }
0x81: {  	[tilespmem:s26], [sflag:$0x1] =	stream.indirect_vreg.gather [hbm4b:s6+s3], $0x80, v4, vm0, $0xb8;
	[tilespmem:$0x10100] =	vst v63  }
0x82: {  	_ = 	snop  }
0x83: {  	[tilespmem:s28], [sflag:$0x1] =	stream.indirect_vreg.gather [hbm4b:s7+s3], $0x80, v4, vm0, $0xb8;
	[tilespmem:$0x10100] =	vst v63  }
0x84: {  	_ = 	snop  }
0x85: {  	[tilespmem:s29], [sflag:$0x1] =	stream.indirect_vreg.gather [hbm4b:s8+s3], $0x80, v4, vm0, $0xb8;
	[tilespmem:$0x10100] =	vst v63  }
0x86: {  	_ = 	snop  }
0x87: {  	[tilespmem:s30], [sflag:$0x1] =	stream.indirect_vreg.gather [hbm4b:s9+s3], $0x80, v4, vm0, $0xb8;
	[tilespmem:$0x10100] =	vst v63  }
0x88: {  	_ = 	snop  }
0x89: {  	[tilespmem:s31], [sflag:$0x1] =	stream.indirect_vreg.gather [hbm4b:s10+s3], $0x80, v4, vm0, $0xb8;
	[tilespmem:$0x10100] =	vst v63  }
0x8a: {  	_ = 	snop  }
0x8b: {  	[tilespmem:s0], [sflag:$0x1] =	stream.indirect_vreg.gather [hbm4b:s11+s3], $0x80, v4, vm0, $0xb8;
	[tilespmem:$0x10100] =	vst v63  }
0x8c: {  	_ =	swait.ge [sflag:s22], $0x8000  }
0x8d: {  	[sflag:s22] =	ssyncset.done $0x0  }
0x8e: {  	s24 =	simm.s32 $0x3;
	[sflag:s22] =	ssyncadd.s32 $0xFFFF8000  }
0x8f: {  	[hbm4b:s23+s3] =	stream.linear.scatter [tilespmem:s1], [sflag:$0x3], $0x8000, $0x38;
	[tilespmem:$0x10100] =	vst v63  }
.LBB2_5:
0x90: {  	s17 =	sadd.s32 $0x1, s17  }
0x91: {  	p0 =	sne.s32 s17, $0xF  }
.Ltmp3:
0x92: {  	_ = 	snop;
	(pc) =	sbr.rel @!p0 .LBB2_6-.Ltmp3, $4  }
0x93: {  	_ = 	snop  }
0x94: {  	_ =	swait.ge [sflag:s24], $0x8000  }
0x95: {  	[sflag:s24] =	ssyncset.done $0x0  }
0x96: {  	s23 =	sadd.s32 $0x1000, s23;
	s12 =	sadd.s32 $0x10, s12;
	[sflag:s24] =	ssyncadd.s32 $0xFFFF8000  }
.LBB2_2:
0x97: {  	v3 =	vld [tilespmem:s12+$0x0];
	_ =	sdelay $0x3  }
0x98: {  	s24 =	sand.u32 $0x1, s17  }
0x99: {  	p0 =	seq.s32 s24, $0x1;
	v4 =	vshll.u32 v3, $0x4  }
.Ltmp4:
0x9a: {  	v3 =	vand.u32 $0x7, v3;
	v4 =	vand.u32 $0xFFFFFF80, v4;
	(pc) =	sbr.rel @p0 .LBB2_4-.Ltmp4, $3  }
0x9b: {  	v4 =	vor.u32 v3, v4  }
0x9c: {  	v3 =	vperm.xlane v4, v0;
	_ =	sdelay $0x1  }
0x9d: {  	v3 =	vadd.s32 v1, v3  }
0x9e: {  	_ =	sdelay $0x3  }
0x9f: {  	[tilespmem:s1], [sflag:$0x2] =	stream.indirect_vreg.gather [hbm4b:s2+s3], $0x80, v3, vm0, $0xb8;
	[tilespmem:$0x10100] =	vst v63  }
0xa0: {  	s24 =	simm.s32 $0x8900  }
0xa1: {  	[tilespmem:s24], [sflag:$0x2] =	stream.indirect_vreg.gather [hbm4b:s5+s3], $0x80, v3, vm0, $0xb8;
	[tilespmem:$0x10100] =	vst v63  }
0xa2: {  	s24 =	simm.s32 $0x9100  }
0xa3: {  	[tilespmem:s24], [sflag:$0x2] =	stream.indirect_vreg.gather [hbm4b:s6+s3], $0x80, v3, vm0, $0xb8;
	[tilespmem:$0x10100] =	vst v63  }
0xa4: {  	s24 =	simm.s32 $0x9900  }
0xa5: {  	[tilespmem:s24], [sflag:$0x2] =	stream.indirect_vreg.gather [hbm4b:s7+s3], $0x80, v3, vm0, $0xb8;
	[tilespmem:$0x10100] =	vst v63  }
0xa6: {  	s24 =	simm.s32 $0xA100  }
0xa7: {  	[tilespmem:s24], [sflag:$0x2] =	stream.indirect_vreg.gather [hbm4b:s8+s3], $0x80, v3, vm0, $0xb8;
	[tilespmem:$0x10100] =	vst v63  }
0xa8: {  	v4 =	vperm.xlane v4, v2;
	s24 =	simm.s32 $0xA900  }
0xa9: {  	[tilespmem:s24], [sflag:$0x2] =	stream.indirect_vreg.gather [hbm4b:s9+s3], $0x80, v3, vm0, $0xb8;
	[tilespmem:$0x10100] =	vst v63  }
0xaa: {  	v4 =	vadd.s32 v1, v4;
	s24 =	simm.s32 $0xB100  }
0xab: {  	[tilespmem:s24], [sflag:$0x2] =	stream.indirect_vreg.gather [hbm4b:s10+s3], $0x80, v3, vm0, $0xb8;
	[tilespmem:$0x10100] =	vst v63  }
0xac: {  	s24 =	simm.s32 $0xB900  }
0xad: {  	[tilespmem:s24], [sflag:$0x2] =	stream.indirect_vreg.gather [hbm4b:s11+s3], $0x80, v3, vm0, $0xb8;
	[tilespmem:$0x10100] =	vst v63  }
0xae: {  	s24 =	simm.s32 $0xC100  }
0xaf: {  	[tilespmem:s24], [sflag:$0x2] =	stream.indirect_vreg.gather [hbm4b:s2+s3], $0x80, v4, vm0, $0xb8;
	[tilespmem:$0x10100] =	vst v63  }
0xb0: {  	_ = 	snop  }
0xb1: {  	[tilespmem:s13], [sflag:$0x2] =	stream.indirect_vreg.gather [hbm4b:s5+s3], $0x80, v4, vm0, $0xb8;
	[tilespmem:$0x10100] =	vst v63  }
0xb2: {  	_ = 	snop  }
0xb3: {  	[tilespmem:s18], [sflag:$0x2] =	stream.indirect_vreg.gather [hbm4b:s6+s3], $0x80, v4, vm0, $0xb8;
	[tilespmem:$0x10100] =	vst v63  }
0xb4: {  	_ = 	snop  }
0xb5: {  	[tilespmem:s14], [sflag:$0x2] =	stream.indirect_vreg.gather [hbm4b:s7+s3], $0x80, v4, vm0, $0xb8;
	[tilespmem:$0x10100] =	vst v63  }
0xb6: {  	_ = 	snop  }
0xb7: {  	[tilespmem:s19], [sflag:$0x2] =	stream.indirect_vreg.gather [hbm4b:s8+s3], $0x80, v4, vm0, $0xb8;
	[tilespmem:$0x10100] =	vst v63  }
0xb8: {  	_ = 	snop  }
0xb9: {  	[tilespmem:s20], [sflag:$0x2] =	stream.indirect_vreg.gather [hbm4b:s9+s3], $0x80, v4, vm0, $0xb8;
	[tilespmem:$0x10100] =	vst v63  }
0xba: {  	_ = 	snop  }
0xbb: {  	[tilespmem:s15], [sflag:$0x2] =	stream.indirect_vreg.gather [hbm4b:s10+s3], $0x80, v4, vm0, $0xb8;
	[tilespmem:$0x10100] =	vst v63  }
0xbc: {  	_ = 	snop  }
0xbd: {  	[tilespmem:s21], [sflag:$0x2] =	stream.indirect_vreg.gather [hbm4b:s11+s3], $0x80, v4, vm0, $0xb8;
	[tilespmem:$0x10100] =	vst v63  }
.Ltmp5:
0xbe: {  	_ = 	snop;
	(pc) =	sbr.rel .LBB2_5-.Ltmp5, $4  }
0xbf: {  	_ =	swait.ge [sflag:s4], $0x8000  }
0xc0: {  	[sflag:s4] =	ssyncset.done $0x0  }
0xc1: {  	s24 =	simm.s32 $0x4;
	[sflag:s4] =	ssyncadd.s32 $0xFFFF8000  }
0xc2: {  	[hbm4b:s23+s3] =	stream.linear.scatter [tilespmem:s16], [sflag:$0x4], $0x8000, $0x38;
	[tilespmem:$0x10100] =	vst v63  }
.LBB2_7:
0xc3: {  	_ =	sfence.sel $0x180000  }
0xc4: {  	[bflag:$0x0] =	sbarrier.arrive $0xFFFF  }
0xc5: {  	_ =	strace $0x90000047  }
0xc6: {  	s0 =	stileid.u32;
	[bflag:$0x2] =	sbarrier.arrive $0xFFFF  }
0xc7: {  	p0 =	sne.s32 s0, $0x0;
	s0 =	rddreg [dreg:$0x3]  }
0xc8: {  	s0 =	sadd.s32 @!p0 $0x100000, s0  }
0xc9: {  	[sflag:s0] =	ssyncadd.tile.s32 @!p0 $0x1;
	_ =	shalt  }
.Lfunc_end2:
_tile_overlayer_lowered:
.L_overlay_start_2:
0xca: {  	(tag) =	ssettag $0x2  }
0xcb: {  	s0 =	rddreg [dreg:$0x0];
	s2 =	stileid.u32  }
0xcc: {  	s1 =	rddreg [dreg:$0x1];
	p0 =	sne.s32 s2, $0x0  }
0xcd: {  	s3 =	rddreg [dreg:$0x2];
	[bflag:$0x3] =	sbarrier.arrive $0xFFFF;
	s2 =	simm.s32 @!p0 $0x1C03  }
0xce: {  	[timem:s3], [sflag:s2] =	dma.local @!p0 [hbm:s0], s1  }
0xcf: {  	s0 =	simm.s32 @!p0 $0x3  }
0xd0: {  	_ =	swait.ge @!p0 [sflag:s0], s1  }
0xd1: {  	s1 =	ssub.s32 @!p0 $0x0, s1;
	[sflag:s0] =	ssyncset.done @!p0 $0x0  }
0xd2: {  	[sflag:s0] =	ssyncadd.s32 @!p0 s1  }
0xd3: {  	[bflag:$0x3] =	sbarrier.arrive $0xFFFF  }
0xd4: {  	_ =	shalt  }

</sc_bundles>
